<compile_context>
chip_gen: v7x
topology: tpu7x:2x2x1
jax: 0.10.2.dev20260603
libtpu: 0.0.44.dev20260713+nightly
codegen_flags: <defaults>
</compile_context>

<pallas_src>
import dataclasses

import numpy as np
import jax
import jax.numpy as jnp
from jax import lax
from jax.experimental import pallas as pl
from jax.experimental.pallas import tpu as pltpu
from jax.experimental.pallas import tpu_sc as plsc

_BINS = 10
_EPS = 1e-8
_B = 16384
_C = 1000
_NSUB = 16
_PW = _B // _NSUB
_NV = _PW // 16


def _edges_f32():
    e = np.arange(_BINS + 1, dtype=np.float32) / np.float32(_BINS)
    e[-1] = np.float32(e[-1] + np.float32(1e-6))
    return [float(v) for v in e]



def _row_sum_via_transpose(a):
    r, c = a.shape
    nfull = c // 128
    acc = a[:, :128]
    for i in range(1, nfull):
        acc = acc + a[:, i * 128:(i + 1) * 128]
    tail = c - nfull * 128
    if tail:
        acc = acc + jnp.pad(a[:, nfull * 128:], ((0, 0), (0, 128 - tail)))
    return jnp.sum(acc.T, axis=0)


def _tc_dense_body(tgt_ref, pred_ref, g_ref, loss_ref):
    x = pred_ref[...]
    r, c = x.shape
    t = tgt_ref[0, 0, :]
    col = lax.broadcasted_iota(jnp.int32, (r, c), 1)
    e = jnp.exp(x)
    em = jnp.where(col == t[:, None], e, 0.0)
    s = _row_sum_via_transpose(e)
    em_s = _row_sum_via_transpose(em)
    m = jnp.log(em_s)
    ls = jnp.log(s + _EPS)
    g_ref[...] = 1.0 - em_s / s
    loss_ref[...] = ls - m


def _tc_dense(pred, target, row_block=2048):
    bsz, csz = pred.shape
    nb = bsz // row_block
    tgt3 = target.reshape(nb, 1, row_block)
    g1, loss1 = pl.pallas_call(
        _tc_dense_body,
        grid=(nb,),
        in_specs=[
            pl.BlockSpec((1, 1, row_block), lambda i: (i, 0, 0)),
            pl.BlockSpec((row_block, csz), lambda i: (i, 0)),
        ],
        out_specs=[
            pl.BlockSpec((row_block,), lambda i: (i,)),
            pl.BlockSpec((row_block,), lambda i: (i,)),
        ],
        out_shape=[
            jax.ShapeDtypeStruct((bsz,), jnp.float32),
            jax.ShapeDtypeStruct((bsz,), jnp.float32),
        ],
    )(tgt3, pred)
    return g1, loss1



_ACCR = 8


def _sc_body(g_hbm, loss_hbm, out_hbm, parts_hbm,
             g_v, l_v, acc_v, gat_v, out_v, sem):
    cid = lax.axis_index("c")
    sid = lax.axis_index("s")

    @pl.when(cid == 0)
    def _work():
        base = sid * _PW
        cp_g = pltpu.async_copy(g_hbm.at[pl.ds(base, _PW)], g_v, sem)
        cp_l = pltpu.async_copy(loss_hbm.at[pl.ds(base, _PW)], l_v, sem)
        cp_g.wait()
        cp_l.wait()

        zero = jnp.zeros((16,), jnp.float32)
        ones = jnp.full((16,), 1.0, jnp.float32)
        for r in range(_ACCR):
            acc_v[r] = zero

        edges = _edges_f32()

        @pl.loop(0, _NV)
        def _binloop(k):
            sl = pl.ds(k * 16, 16)
            g = g_v[sl]
            loss = l_v[sl]
            nge = jnp.zeros((16,), jnp.int32)
            for ev in edges:
                nge = nge + jnp.where(g >= ev, 1, 0).astype(jnp.int32)
            bin_idx = jnp.minimum(jnp.maximum(nge - 1, 0), _BINS - 1)
            plsc.addupdate_scatter(acc_v.at[0], [bin_idx], ones)
            plsc.addupdate_scatter(acc_v.at[1], [bin_idx], loss)

        pltpu.sync_copy(acc_v, parts_hbm.at[pl.ds(sid * _ACCR, _ACCR)])

    plsc.subcore_barrier()

    @pl.when((cid == 0) & (sid == 0))
    def _final():
        pltpu.sync_copy(parts_hbm, gat_v)
        cnt16 = gat_v[0]
        l16 = gat_v[1]
        for i in range(1, _NSUB):
            cnt16 = cnt16 + gat_v[i * _ACCR]
            l16 = l16 + gat_v[i * _ACCR + 1]
        mask = cnt16 > 0.0
        n = jnp.sum(jnp.where(mask, 1.0, 0.0))
        termv = jnp.where(mask, l16 / jnp.maximum(cnt16, 1.0), 0.0)
        tot = jnp.sum(termv)
        res_v = jnp.full((16,), tot, jnp.float32) / jnp.maximum(
            jnp.full((16,), n, jnp.float32), 1.0)
        out_v[...] = res_v
        pltpu.sync_copy(out_v, out_hbm)


def _sc_stage(g, loss):
    mesh = plsc.VectorSubcoreMesh(core_axis_name="c", subcore_axis_name="s")
    cp = pltpu.CompilerParams()
    if "needs_layout_passes" in pltpu.CompilerParams.__dataclass_fields__:
        cp = dataclasses.replace(cp, needs_layout_passes=False)
    k = pl.kernel(
        _sc_body,
        out_type=[
            jax.ShapeDtypeStruct((16,), jnp.float32),
            jax.ShapeDtypeStruct((_NSUB * _ACCR, 16), jnp.float32),
        ],
        mesh=mesh,
        scratch_types=[
            pltpu.VMEM((_PW,), jnp.float32),
            pltpu.VMEM((_PW,), jnp.float32),
            pltpu.VMEM((_ACCR, 16), jnp.float32),
            pltpu.VMEM((_NSUB * _ACCR, 16), jnp.float32),
            pltpu.VMEM((16,), jnp.float32),
            pltpu.SemaphoreType.DMA,
        ],
        compiler_params=cp,
    )
    out16, _parts = k(g, loss)
    return out16


def kernel(pred, target):
    g, loss = _tc_dense(pred, target)
    out16 = _sc_stage(g, loss)
    return out16[0]

# --- scband reference (transcript-rebuilt; emitter-appended) ---
"""Pipeline reference for scband-ghmc-loss-12403865550911 (READ-ONLY COPY).

The authoritative reference and input builder live on the scoring server;
editing this copy changes nothing except your own understanding.
"""

import jax, jax.numpy as jnp
import numpy as np

BINS = 10
EPS = 1e-08


def setup_inputs(seed: int = 0) -> dict:
    key = jax.random.key(seed)
    k1, k2 = jax.random.split(key)
    pred = jax.random.normal(k1, (16384, 1000), dtype=jnp.float32)
    target = jax.random.randint(k2, (16384,), 0, 1000, dtype=jnp.int32)
    return {"pred": pred, "target": target}


def reference(pred, target):
    bins = BINS
    batch_size = pred.shape[0]
    idx = jnp.arange(batch_size)
    # g = 1 - softmax(pred.detach())[idx, target]
    p = jax.nn.softmax(jax.lax.stop_gradient(pred), axis=1)
    g = 1.0 - p[idx, target]
    # edges = [i/bins for i in range(bins+1)]; edges[-1] += 1e-6
    edges = jnp.arange(bins + 1, dtype=jnp.float32) / bins
    edges = edges.at[-1].add(1e-06)
    # bin assignment: inds_i = (g >= edges[i]) & (g < edges[i+1])
    bin_idx = jnp.clip(jnp.searchsorted(edges, g, side='right') - 1, 0, bins - 1)
    counts = jnp.bincount(bin_idx, length=bins)
    n = jnp.sum(counts > 0)
    cnt_per_sample = counts[bin_idx]
    weights = jnp.where(cnt_per_sample > 0,
                        1.0 / jnp.maximum(cnt_per_sample, 1).astype(jnp.float32),
                        0.0)
    weights = jnp.where(n > 0, weights / n.astype(jnp.float32), weights)
    # loss = -pred[idx, target] + log(sum(exp(pred)) + eps)
    loss = -pred[idx, target] + jnp.log(jnp.sum(jnp.exp(pred), axis=1) + EPS)
    return jnp.sum(loss * weights)

if __name__ == "__main__":
    import jax
    _d = setup_inputs()
    print(jax.jit(kernel)(*tuple(_d.values())))

</pallas_src>

<mosaic_0001>
#map = affine_map<(d0, d1) -> (0)>
#map1 = affine_map<(d0, d1) -> (0, 0)>
module attributes {stable_mosaic.version = 14 : i64} {
  func.func @_sc_body(%arg0: i32, %arg1: i32, %arg2: memref<16384xf32, #tpu.memory_space<hbm>>, %arg3: memref<16384xf32, #tpu.memory_space<hbm>>, %arg4: memref<16xf32, #tpu.memory_space<hbm>>, %arg5: memref<128x16xf32, #tpu.memory_space<hbm>>, %arg6: memref<1024xf32, #tpu.memory_space<vmem>>, %arg7: memref<1024xf32, #tpu.memory_space<vmem>>, %arg8: memref<8x16xf32, #tpu.memory_space<vmem>>, %arg9: memref<128x16xf32, #tpu.memory_space<vmem>>, %arg10: memref<16xf32, #tpu.memory_space<vmem>>, %arg11: memref<!tpu.dma_semaphore, #tpu.memory_space<semaphore_mem>>) attributes {dimension_semantics = [#tpu.dimension_semantics<core_parallel>, #tpu.dimension_semantics<subcore_parallel>], iteration_bounds = array<i64: 2, 16>, scalar_prefetch = 0 : i64, scratch_operands = 6 : i64, tpu.core_type = #tpu.core_type<sc_vector_subcore>, window_params = [{transform_indices = #map}, {transform_indices = #map}, {transform_indices = #map}, {transform_indices = #map1}]} {
    %eq3A = arith.constant 0 : i32
    %eq3A_0 = arith.cmpi eq, %arg0, %eq3A : i32
    %convert_element_type3A = arith.extui %eq3A_0 : i1 to i32
    %cond3A = arith.constant 0 : i32
    %cond3A_1 = arith.cmpi ne, %convert_element_type3A, %cond3A : i32
    scf.if %cond3A_1 {
      %mul3A = arith.constant 1024 : i32
      %mul3A_9 = arith.muli %arg1, %mul3A : i32
      %dma_start3A = tpu.memref_slice %arg2[%mul3A_9] : memref<16384xf32, #tpu.memory_space<hbm>> -> memref<1024xf32, #tpu.memory_space<hbm>>
      %dma_start3A_10 = tpu.memref_slice %arg2[%mul3A_9] : memref<16384xf32, #tpu.memory_space<hbm>> -> memref<1024xf32, #tpu.memory_space<hbm>>
      tpu.enqueue_dma source(%dma_start3A_10 : memref<1024xf32, #tpu.memory_space<hbm>>) target(%arg6 : memref<1024xf32, #tpu.memory_space<vmem>>) target_semaphore(%arg11 : memref<!tpu.dma_semaphore, #tpu.memory_space<semaphore_mem>>)
      %dma_start3A_11 = tpu.memref_slice %arg3[%mul3A_9] : memref<16384xf32, #tpu.memory_space<hbm>> -> memref<1024xf32, #tpu.memory_space<hbm>>
      %dma_start3A_12 = tpu.memref_slice %arg3[%mul3A_9] : memref<16384xf32, #tpu.memory_space<hbm>> -> memref<1024xf32, #tpu.memory_space<hbm>>
      tpu.enqueue_dma source(%dma_start3A_12 : memref<1024xf32, #tpu.memory_space<hbm>>) target(%arg7 : memref<1024xf32, #tpu.memory_space<vmem>>) target_semaphore(%arg11 : memref<!tpu.dma_semaphore, #tpu.memory_space<semaphore_mem>>)
      %dma_wait3A = tpu.memref_slice %arg2[%mul3A_9] : memref<16384xf32, #tpu.memory_space<hbm>> -> memref<1024xf32, #tpu.memory_space<hbm>>
      %dma_wait3A_13 = tpu.memref_slice %arg2[%mul3A_9] : memref<16384xf32, #tpu.memory_space<hbm>> -> memref<1024xf32, #tpu.memory_space<hbm>>
      tpu.wait_dma2 semaphore(%arg11 : memref<!tpu.dma_semaphore, #tpu.memory_space<semaphore_mem>>) src(%dma_wait3A_13 : memref<1024xf32, #tpu.memory_space<hbm>>) dst(%arg6 : memref<1024xf32, #tpu.memory_space<vmem>>)
      %dma_wait3A_14 = tpu.memref_slice %arg3[%mul3A_9] : memref<16384xf32, #tpu.memory_space<hbm>> -> memref<1024xf32, #tpu.memory_space<hbm>>
      %dma_wait3A_15 = tpu.memref_slice %arg3[%mul3A_9] : memref<16384xf32, #tpu.memory_space<hbm>> -> memref<1024xf32, #tpu.memory_space<hbm>>
      tpu.wait_dma2 semaphore(%arg11 : memref<!tpu.dma_semaphore, #tpu.memory_space<semaphore_mem>>) src(%dma_wait3A_15 : memref<1024xf32, #tpu.memory_space<hbm>>) dst(%arg7 : memref<1024xf32, #tpu.memory_space<vmem>>)
      %broadcast_in_dim3A = arith.constant 0.000000e+00 : f32
      %broadcast_in_dim3A_16 = vector.broadcast %broadcast_in_dim3A : f32 to vector<16xf32>
      %broadcast_in_dim3A_17 = arith.constant 1.000000e+00 : f32
      %broadcast_in_dim3A_18 = vector.broadcast %broadcast_in_dim3A_17 : f32 to vector<16xf32>
      %swap3A = arith.constant 0 : i32
      %swap3A_19 = arith.index_cast %swap3A : i32 to index
      %swap3A_20 = arith.constant 0 : index
      %swap3A_21 = tpu.vector_load %arg8[%swap3A_19, %swap3A_20] {strides = array<i32>} : memref<8x16xf32, #tpu.memory_space<vmem>>, vector<16xf32>,
      tpu.vector_store %arg8[%swap3A_19, %swap3A_20], %broadcast_in_dim3A_16 {strides = array<i32>} : memref<8x16xf32, #tpu.memory_space<vmem>>, vector<16xf32>,
      %swap3A_22 = arith.constant 1 : i32
      %swap3A_23 = arith.index_cast %swap3A_22 : i32 to index
      %swap3A_24 = arith.constant 0 : index
      %swap3A_25 = tpu.vector_load %arg8[%swap3A_23, %swap3A_24] {strides = array<i32>} : memref<8x16xf32, #tpu.memory_space<vmem>>, vector<16xf32>,
      tpu.vector_store %arg8[%swap3A_23, %swap3A_24], %broadcast_in_dim3A_16 {strides = array<i32>} : memref<8x16xf32, #tpu.memory_space<vmem>>, vector<16xf32>,
      %swap3A_26 = arith.constant 2 : i32
      %swap3A_27 = arith.index_cast %swap3A_26 : i32 to index
      %swap3A_28 = arith.constant 0 : index
      %swap3A_29 = tpu.vector_load %arg8[%swap3A_27, %swap3A_28] {strides = array<i32>} : memref<8x16xf32, #tpu.memory_space<vmem>>, vector<16xf32>,
      tpu.vector_store %arg8[%swap3A_27, %swap3A_28], %broadcast_in_dim3A_16 {strides = array<i32>} : memref<8x16xf32, #tpu.memory_space<vmem>>, vector<16xf32>,
      %swap3A_30 = arith.constant 3 : i32
      %swap3A_31 = arith.index_cast %swap3A_30 : i32 to index
      %swap3A_32 = arith.constant 0 : index
      %swap3A_33 = tpu.vector_load %arg8[%swap3A_31, %swap3A_32] {strides = array<i32>} : memref<8x16xf32, #tpu.memory_space<vmem>>, vector<16xf32>,
      tpu.vector_store %arg8[%swap3A_31, %swap3A_32], %broadcast_in_dim3A_16 {strides = array<i32>} : memref<8x16xf32, #tpu.memory_space<vmem>>, vector<16xf32>,
      %swap3A_34 = arith.constant 4 : i32
      %swap3A_35 = arith.index_cast %swap3A_34 : i32 to index
      %swap3A_36 = arith.constant 0 : index
      %swap3A_37 = tpu.vector_load %arg8[%swap3A_35, %swap3A_36] {strides = array<i32>} : memref<8x16xf32, #tpu.memory_space<vmem>>, vector<16xf32>,
      tpu.vector_store %arg8[%swap3A_35, %swap3A_36], %broadcast_in_dim3A_16 {strides = array<i32>} : memref<8x16xf32, #tpu.memory_space<vmem>>, vector<16xf32>,
      %swap3A_38 = arith.constant 5 : i32
      %swap3A_39 = arith.index_cast %swap3A_38 : i32 to index
      %swap3A_40 = arith.constant 0 : index
      %swap3A_41 = tpu.vector_load %arg8[%swap3A_39, %swap3A_40] {strides = array<i32>} : memref<8x16xf32, #tpu.memory_space<vmem>>, vector<16xf32>,
      tpu.vector_store %arg8[%swap3A_39, %swap3A_40], %broadcast_in_dim3A_16 {strides = array<i32>} : memref<8x16xf32, #tpu.memory_space<vmem>>, vector<16xf32>,
      %swap3A_42 = arith.constant 6 : i32
      %swap3A_43 = arith.index_cast %swap3A_42 : i32 to index
      %swap3A_44 = arith.constant 0 : index
      %swap3A_45 = tpu.vector_load %arg8[%swap3A_43, %swap3A_44] {strides = array<i32>} : memref<8x16xf32, #tpu.memory_space<vmem>>, vector<16xf32>,
      tpu.vector_store %arg8[%swap3A_43, %swap3A_44], %broadcast_in_dim3A_16 {strides = array<i32>} : memref<8x16xf32, #tpu.memory_space<vmem>>, vector<16xf32>,
      %swap3A_46 = arith.constant 7 : i32
      %swap3A_47 = arith.index_cast %swap3A_46 : i32 to index
      %swap3A_48 = arith.constant 0 : index
      %swap3A_49 = tpu.vector_load %arg8[%swap3A_47, %swap3A_48] {strides = array<i32>} : memref<8x16xf32, #tpu.memory_space<vmem>>, vector<16xf32>,
      tpu.vector_store %arg8[%swap3A_47, %swap3A_48], %broadcast_in_dim3A_16 {strides = array<i32>} : memref<8x16xf32, #tpu.memory_space<vmem>>, vector<16xf32>,
      %scan3A = arith.constant 0 : i32
      %scan3A_50 = arith.constant 64 : i32
      %scan3A_51 = arith.addi %scan3A, %scan3A_50 : i32
      %scan3A_52 = arith.constant 1 : i32
      scf.for %scan3A_56 = %scan3A to %scan3A_51 step %scan3A_52  : i32 {
        %mul3A_57 = arith.constant 1 : i32
        %mul3A_58 = arith.muli %scan3A_56, %mul3A_57 : i32
        %add3A = arith.constant 0 : i32
        %add3A_59 = arith.addi %add3A, %mul3A_58 : i32
        %mul3A_60 = arith.constant 16 : i32
        %mul3A_61 = arith.muli %add3A_59, %mul3A_60 : i32
        %get3A = arith.index_cast %mul3A_61 : i32 to index
        %get3A_62 = tpu.vector_load %arg6[%get3A] {strides = array<i32>} : memref<1024xf32, #tpu.memory_space<vmem>>, vector<16xf32>,
        %get3A_63 = arith.index_cast %mul3A_61 : i32 to index
        %get3A_64 = tpu.vector_load %arg7[%get3A_63] {strides = array<i32>} : memref<1024xf32, #tpu.memory_space<vmem>>, vector<16xf32>,
        %broadcast_in_dim3A_65 = arith.constant 0 : i32
        %broadcast_in_dim3A_66 = vector.broadcast %broadcast_in_dim3A_65 : i32 to vector<16xi32>
        %ge3A = arith.constant 0.000000e+00 : f32
        %ge3A_67 = vector.broadcast %ge3A : f32 to vector<16xf32>
        %ge3A_68 = arith.cmpf oge, %get3A_62, %ge3A_67 : vector<16xf32>
        %jit3A = arith.constant 1 : i32
        %jit3A_69 = arith.constant 0 : i32
        %broadcast_in_dim3A_70 = vector.broadcast %jit3A : i32 to vector<16xi32>
        %broadcast_in_dim3A_71 = vector.broadcast %jit3A_69 : i32 to vector<16xi32>
        %select_n3A = arith.select %ge3A_68, %broadcast_in_dim3A_70, %broadcast_in_dim3A_71 : vector<16xi1>, vector<16xi32>
        %add3A_72 = arith.addi %broadcast_in_dim3A_66, %select_n3A : vector<16xi32>
        %ge3A_73 = arith.constant 1.000000e-01 : f32
        %ge3A_74 = vector.broadcast %ge3A_73 : f32 to vector<16xf32>
        %ge3A_75 = arith.cmpf oge, %get3A_62, %ge3A_74 : vector<16xf32>
        %jit3A_76 = arith.constant 1 : i32
        %jit3A_77 = arith.constant 0 : i32
        %broadcast_in_dim3A_78 = vector.broadcast %jit3A_76 : i32 to vector<16xi32>
        %broadcast_in_dim3A_79 = vector.broadcast %jit3A_77 : i32 to vector<16xi32>
        %select_n3A_80 = arith.select %ge3A_75, %broadcast_in_dim3A_78, %broadcast_in_dim3A_79 : vector<16xi1>, vector<16xi32>
        %add3A_81 = arith.addi %add3A_72, %select_n3A_80 : vector<16xi32>
        %ge3A_82 = arith.constant 2.000000e-01 : f32
        %ge3A_83 = vector.broadcast %ge3A_82 : f32 to vector<16xf32>
        %ge3A_84 = arith.cmpf oge, %get3A_62, %ge3A_83 : vector<16xf32>
        %jit3A_85 = arith.constant 1 : i32
        %jit3A_86 = arith.constant 0 : i32
        %broadcast_in_dim3A_87 = vector.broadcast %jit3A_85 : i32 to vector<16xi32>
        %broadcast_in_dim3A_88 = vector.broadcast %jit3A_86 : i32 to vector<16xi32>
        %select_n3A_89 = arith.select %ge3A_84, %broadcast_in_dim3A_87, %broadcast_in_dim3A_88 : vector<16xi1>, vector<16xi32>
        %add3A_90 = arith.addi %add3A_81, %select_n3A_89 : vector<16xi32>
        %ge3A_91 = arith.constant 3.000000e-01 : f32
        %ge3A_92 = vector.broadcast %ge3A_91 : f32 to vector<16xf32>
        %ge3A_93 = arith.cmpf oge, %get3A_62, %ge3A_92 : vector<16xf32>
        %jit3A_94 = arith.constant 1 : i32
        %jit3A_95 = arith.constant 0 : i32
        %broadcast_in_dim3A_96 = vector.broadcast %jit3A_94 : i32 to vector<16xi32>
        %broadcast_in_dim3A_97 = vector.broadcast %jit3A_95 : i32 to vector<16xi32>
        %select_n3A_98 = arith.select %ge3A_93, %broadcast_in_dim3A_96, %broadcast_in_dim3A_97 : vector<16xi1>, vector<16xi32>
        %add3A_99 = arith.addi %add3A_90, %select_n3A_98 : vector<16xi32>
        %ge3A_100 = arith.constant 4.000000e-01 : f32
        %ge3A_101 = vector.broadcast %ge3A_100 : f32 to vector<16xf32>
        %ge3A_102 = arith.cmpf oge, %get3A_62, %ge3A_101 : vector<16xf32>
        %jit3A_103 = arith.constant 1 : i32
        %jit3A_104 = arith.constant 0 : i32
        %broadcast_in_dim3A_105 = vector.broadcast %jit3A_103 : i32 to vector<16xi32>
        %broadcast_in_dim3A_106 = vector.broadcast %jit3A_104 : i32 to vector<16xi32>
        %select_n3A_107 = arith.select %ge3A_102, %broadcast_in_dim3A_105, %broadcast_in_dim3A_106 : vector<16xi1>, vector<16xi32>
        %add3A_108 = arith.addi %add3A_99, %select_n3A_107 : vector<16xi32>
        %ge3A_109 = arith.constant 5.000000e-01 : f32
        %ge3A_110 = vector.broadcast %ge3A_109 : f32 to vector<16xf32>
        %ge3A_111 = arith.cmpf oge, %get3A_62, %ge3A_110 : vector<16xf32>
        %jit3A_112 = arith.constant 1 : i32
        %jit3A_113 = arith.constant 0 : i32
        %broadcast_in_dim3A_114 = vector.broadcast %jit3A_112 : i32 to vector<16xi32>
        %broadcast_in_dim3A_115 = vector.broadcast %jit3A_113 : i32 to vector<16xi32>
        %select_n3A_116 = arith.select %ge3A_111, %broadcast_in_dim3A_114, %broadcast_in_dim3A_115 : vector<16xi1>, vector<16xi32>
        %add3A_117 = arith.addi %add3A_108, %select_n3A_116 : vector<16xi32>
        %ge3A_118 = arith.constant 6.000000e-01 : f32
        %ge3A_119 = vector.broadcast %ge3A_118 : f32 to vector<16xf32>
        %ge3A_120 = arith.cmpf oge, %get3A_62, %ge3A_119 : vector<16xf32>
        %jit3A_121 = arith.constant 1 : i32
        %jit3A_122 = arith.constant 0 : i32
        %broadcast_in_dim3A_123 = vector.broadcast %jit3A_121 : i32 to vector<16xi32>
        %broadcast_in_dim3A_124 = vector.broadcast %jit3A_122 : i32 to vector<16xi32>
        %select_n3A_125 = arith.select %ge3A_120, %broadcast_in_dim3A_123, %broadcast_in_dim3A_124 : vector<16xi1>, vector<16xi32>
        %add3A_126 = arith.addi %add3A_117, %select_n3A_125 : vector<16xi32>
        %ge3A_127 = arith.constant 0.699999988 : f32
        %ge3A_128 = vector.broadcast %ge3A_127 : f32 to vector<16xf32>
        %ge3A_129 = arith.cmpf oge, %get3A_62, %ge3A_128 : vector<16xf32>
        %jit3A_130 = arith.constant 1 : i32
        %jit3A_131 = arith.constant 0 : i32
        %broadcast_in_dim3A_132 = vector.broadcast %jit3A_130 : i32 to vector<16xi32>
        %broadcast_in_dim3A_133 = vector.broadcast %jit3A_131 : i32 to vector<16xi32>
        %select_n3A_134 = arith.select %ge3A_129, %broadcast_in_dim3A_132, %broadcast_in_dim3A_133 : vector<16xi1>, vector<16xi32>
        %add3A_135 = arith.addi %add3A_126, %select_n3A_134 : vector<16xi32>
        %ge3A_136 = arith.constant 8.000000e-01 : f32
        %ge3A_137 = vector.broadcast %ge3A_136 : f32 to vector<16xf32>
        %ge3A_138 = arith.cmpf oge, %get3A_62, %ge3A_137 : vector<16xf32>
        %jit3A_139 = arith.constant 1 : i32
        %jit3A_140 = arith.constant 0 : i32
        %broadcast_in_dim3A_141 = vector.broadcast %jit3A_139 : i32 to vector<16xi32>
        %broadcast_in_dim3A_142 = vector.broadcast %jit3A_140 : i32 to vector<16xi32>
        %select_n3A_143 = arith.select %ge3A_138, %broadcast_in_dim3A_141, %broadcast_in_dim3A_142 : vector<16xi1>, vector<16xi32>
        %add3A_144 = arith.addi %add3A_135, %select_n3A_143 : vector<16xi32>
        %ge3A_145 = arith.constant 0.899999976 : f32
        %ge3A_146 = vector.broadcast %ge3A_145 : f32 to vector<16xf32>
        %ge3A_147 = arith.cmpf oge, %get3A_62, %ge3A_146 : vector<16xf32>
        %jit3A_148 = arith.constant 1 : i32
        %jit3A_149 = arith.constant 0 : i32
        %broadcast_in_dim3A_150 = vector.broadcast %jit3A_148 : i32 to vector<16xi32>
        %broadcast_in_dim3A_151 = vector.broadcast %jit3A_149 : i32 to vector<16xi32>
        %select_n3A_152 = arith.select %ge3A_147, %broadcast_in_dim3A_150, %broadcast_in_dim3A_151 : vector<16xi1>, vector<16xi32>
        %add3A_153 = arith.addi %add3A_144, %select_n3A_152 : vector<16xi32>
        %ge3A_154 = arith.constant 1.00000095 : f32
        %ge3A_155 = vector.broadcast %ge3A_154 : f32 to vector<16xf32>
        %ge3A_156 = arith.cmpf oge, %get3A_62, %ge3A_155 : vector<16xf32>
        %jit3A_157 = arith.constant 1 : i32
        %jit3A_158 = arith.constant 0 : i32
        %broadcast_in_dim3A_159 = vector.broadcast %jit3A_157 : i32 to vector<16xi32>
        %broadcast_in_dim3A_160 = vector.broadcast %jit3A_158 : i32 to vector<16xi32>
        %select_n3A_161 = arith.select %ge3A_156, %broadcast_in_dim3A_159, %broadcast_in_dim3A_160 : vector<16xi1>, vector<16xi32>
        %add3A_162 = arith.addi %add3A_153, %select_n3A_161 : vector<16xi32>
        %sub3A = arith.constant 1 : i32
        %sub3A_163 = vector.broadcast %sub3A : i32 to vector<16xi32>
        %sub3A_164 = arith.subi %add3A_162, %sub3A_163 : vector<16xi32>
        %max3A = arith.constant 0 : i32
        %max3A_165 = vector.broadcast %max3A : i32 to vector<16xi32>
        %max3A_166 = arith.maxsi %sub3A_164, %max3A_165 : vector<16xi32>
        %min3A = arith.constant 9 : i32
        %min3A_167 = vector.broadcast %min3A : i32 to vector<16xi32>
        %min3A_168 = arith.minsi %max3A_166, %min3A_167 : vector<16xi32>
        %scatter3A = arith.constant 0 : i32
        %scatter3A_169 = arith.constant 0 : i32
        %scatter3A_170 = tpu.memref_slice %arg8[%scatter3A, %scatter3A_169] : memref<8x16xf32, #tpu.memory_space<vmem>> -> memref<1x16xf32, #tpu.memory_space<vmem>>
        %scatter3A_171 = tpu.memref_squeeze %scatter3A_170 : memref<1x16xf32, #tpu.memory_space<vmem>> -> memref<16xf32, #tpu.memory_space<vmem>>
        tpu.vector_store_idx %scatter3A_171[%min3A_168], %broadcast_in_dim3A_18 {add = true} : memref<16xf32, #tpu.memory_space<vmem>>[vector<16xi32>], vector<16xf32>,
        %scatter3A_172 = arith.constant 1 : i32
        %scatter3A_173 = arith.constant 0 : i32
        %scatter3A_174 = tpu.memref_slice %arg8[%scatter3A_172, %scatter3A_173] : memref<8x16xf32, #tpu.memory_space<vmem>> -> memref<1x16xf32, #tpu.memory_space<vmem>>
        %scatter3A_175 = tpu.memref_squeeze %scatter3A_174 : memref<1x16xf32, #tpu.memory_space<vmem>> -> memref<16xf32, #tpu.memory_space<vmem>>
        tpu.vector_store_idx %scatter3A_175[%min3A_168], %get3A_64 {add = true} : memref<16xf32, #tpu.memory_space<vmem>>[vector<16xi32>], vector<16xf32>,
      }
      %scan3A_53 = arith.constant 64 : i32
      %mul3A_54 = arith.constant 8 : i32
      %mul3A_55 = arith.muli %arg1, %mul3A_54 : i32
      "tpu.region"() ({
        %run_scoped3A = tpu.sem_alloc : memref<!tpu.dma_semaphore, #tpu.memory_space<semaphore_mem>>
        %dma_start3A_56 = arith.constant 0 : i32
        %dma_start3A_57 = tpu.memref_slice %arg5[%mul3A_55, %dma_start3A_56] : memref<128x16xf32, #tpu.memory_space<hbm>> -> memref<8x16xf32, #tpu.memory_space<hbm>>
        %dma_start3A_58 = arith.constant 0 : i32
        %dma_start3A_59 = tpu.memref_slice %arg5[%mul3A_55, %dma_start3A_58] : memref<128x16xf32, #tpu.memory_space<hbm>> -> memref<8x16xf32, #tpu.memory_space<hbm>>
        tpu.enqueue_dma source(%arg8 : memref<8x16xf32, #tpu.memory_space<vmem>>) target(%dma_start3A_59 : memref<8x16xf32, #tpu.memory_space<hbm>>) target_semaphore(%run_scoped3A : memref<!tpu.dma_semaphore, #tpu.memory_space<semaphore_mem>>)
        %dma_wait3A_60 = arith.constant 0 : i32
        %dma_wait3A_61 = tpu.memref_slice %arg5[%mul3A_55, %dma_wait3A_60] : memref<128x16xf32, #tpu.memory_space<hbm>> -> memref<8x16xf32, #tpu.memory_space<hbm>>
        %dma_wait3A_62 = arith.constant 0 : i32
        %dma_wait3A_63 = tpu.memref_slice %arg5[%mul3A_55, %dma_wait3A_62] : memref<128x16xf32, #tpu.memory_space<hbm>> -> memref<8x16xf32, #tpu.memory_space<hbm>>
        tpu.wait_dma2 semaphore(%run_scoped3A : memref<!tpu.dma_semaphore, #tpu.memory_space<semaphore_mem>>) src(%arg8 : memref<8x16xf32, #tpu.memory_space<vmem>>) dst(%dma_wait3A_63 : memref<8x16xf32, #tpu.memory_space<hbm>>)
        tpu.yield
      }) : () -> ()
    } else {
    }
    %barrier3A = arith.constant 0 : index
    tpu.barrier barrier_id(%barrier3A)
    %eq3A_2 = arith.constant 0 : i32
    %eq3A_3 = arith.cmpi eq, %arg0, %eq3A_2 : i32
    %eq3A_4 = arith.constant 0 : i32
    %eq3A_5 = arith.cmpi eq, %arg1, %eq3A_4 : i32
    %and3A = arith.andi %eq3A_3, %eq3A_5 : i1
    %convert_element_type3A_6 = arith.extui %and3A : i1 to i32
    %cond3A_7 = arith.constant 0 : i32
    %cond3A_8 = arith.cmpi ne, %convert_element_type3A_6, %cond3A_7 : i32
    scf.if %cond3A_8 {
      "tpu.region"() ({
        %run_scoped3A = tpu.sem_alloc : memref<!tpu.dma_semaphore, #tpu.memory_space<semaphore_mem>>
        tpu.enqueue_dma source(%arg5 : memref<128x16xf32, #tpu.memory_space<hbm>>) target(%arg9 : memref<128x16xf32, #tpu.memory_space<vmem>>) target_semaphore(%run_scoped3A : memref<!tpu.dma_semaphore, #tpu.memory_space<semaphore_mem>>)
        tpu.wait_dma2 semaphore(%run_scoped3A : memref<!tpu.dma_semaphore, #tpu.memory_space<semaphore_mem>>) src(%arg5 : memref<128x16xf32, #tpu.memory_space<hbm>>) dst(%arg9 : memref<128x16xf32, #tpu.memory_space<vmem>>)
        tpu.yield
      }) : () -> ()
      %get3A = arith.constant 0 : i32
      %get3A_9 = arith.index_cast %get3A : i32 to index
      %get3A_10 = arith.constant 0 : index
      %get3A_11 = tpu.vector_load %arg9[%get3A_9, %get3A_10] {strides = array<i32>} : memref<128x16xf32, #tpu.memory_space<vmem>>, vector<16xf32>,
      %get3A_12 = arith.constant 1 : i32
      %get3A_13 = arith.index_cast %get3A_12 : i32 to index
      %get3A_14 = arith.constant 0 : index
      %get3A_15 = tpu.vector_load %arg9[%get3A_13, %get3A_14] {strides = array<i32>} : memref<128x16xf32, #tpu.memory_space<vmem>>, vector<16xf32>,
      %get3A_16 = arith.constant 8 : i32
      %get3A_17 = arith.index_cast %get3A_16 : i32 to index
      %get3A_18 = arith.constant 0 : index
      %get3A_19 = tpu.vector_load %arg9[%get3A_17, %get3A_18] {strides = array<i32>} : memref<128x16xf32, #tpu.memory_space<vmem>>, vector<16xf32>,
      %add3A = arith.addf %get3A_11, %get3A_19 : vector<16xf32>
      %get3A_20 = arith.constant 9 : i32
      %get3A_21 = arith.index_cast %get3A_20 : i32 to index
      %get3A_22 = arith.constant 0 : index
      %get3A_23 = tpu.vector_load %arg9[%get3A_21, %get3A_22] {strides = array<i32>} : memref<128x16xf32, #tpu.memory_space<vmem>>, vector<16xf32>,
      %add3A_24 = arith.addf %get3A_15, %get3A_23 : vector<16xf32>
      %get3A_25 = arith.constant 16 : i32
      %get3A_26 = arith.index_cast %get3A_25 : i32 to index
      %get3A_27 = arith.constant 0 : index
      %get3A_28 = tpu.vector_load %arg9[%get3A_26, %get3A_27] {strides = array<i32>} : memref<128x16xf32, #tpu.memory_space<vmem>>, vector<16xf32>,
      %add3A_29 = arith.addf %add3A, %get3A_28 : vector<16xf32>
      %get3A_30 = arith.constant 17 : i32
      %get3A_31 = arith.index_cast %get3A_30 : i32 to index
      %get3A_32 = arith.constant 0 : index
      %get3A_33 = tpu.vector_load %arg9[%get3A_31, %get3A_32] {strides = array<i32>} : memref<128x16xf32, #tpu.memory_space<vmem>>, vector<16xf32>,
      %add3A_34 = arith.addf %add3A_24, %get3A_33 : vector<16xf32>
      %get3A_35 = arith.constant 24 : i32
      %get3A_36 = arith.index_cast %get3A_35 : i32 to index
      %get3A_37 = arith.constant 0 : index
      %get3A_38 = tpu.vector_load %arg9[%get3A_36, %get3A_37] {strides = array<i32>} : memref<128x16xf32, #tpu.memory_space<vmem>>, vector<16xf32>,
      %add3A_39 = arith.addf %add3A_29, %get3A_38 : vector<16xf32>
      %get3A_40 = arith.constant 25 : i32
      %get3A_41 = arith.index_cast %get3A_40 : i32 to index
      %get3A_42 = arith.constant 0 : index
      %get3A_43 = tpu.vector_load %arg9[%get3A_41, %get3A_42] {strides = array<i32>} : memref<128x16xf32, #tpu.memory_space<vmem>>, vector<16xf32>,
      %add3A_44 = arith.addf %add3A_34, %get3A_43 : vector<16xf32>
      %get3A_45 = arith.constant 32 : i32
      %get3A_46 = arith.index_cast %get3A_45 : i32 to index
      %get3A_47 = arith.constant 0 : index
      %get3A_48 = tpu.vector_load %arg9[%get3A_46, %get3A_47] {strides = array<i32>} : memref<128x16xf32, #tpu.memory_space<vmem>>, vector<16xf32>,
      %add3A_49 = arith.addf %add3A_39, %get3A_48 : vector<16xf32>
      %get3A_50 = arith.constant 33 : i32
      %get3A_51 = arith.index_cast %get3A_50 : i32 to index
      %get3A_52 = arith.constant 0 : index
      %get3A_53 = tpu.vector_load %arg9[%get3A_51, %get3A_52] {strides = array<i32>} : memref<128x16xf32, #tpu.memory_space<vmem>>, vector<16xf32>,
      %add3A_54 = arith.addf %add3A_44, %get3A_53 : vector<16xf32>
      %get3A_55 = arith.constant 40 : i32
      %get3A_56 = arith.index_cast %get3A_55 : i32 to index
      %get3A_57 = arith.constant 0 : index
      %get3A_58 = tpu.vector_load %arg9[%get3A_56, %get3A_57] {strides = array<i32>} : memref<128x16xf32, #tpu.memory_space<vmem>>, vector<16xf32>,
      %add3A_59 = arith.addf %add3A_49, %get3A_58 : vector<16xf32>
      %get3A_60 = arith.constant 41 : i32
      %get3A_61 = arith.index_cast %get3A_60 : i32 to index
      %get3A_62 = arith.constant 0 : index
      %get3A_63 = tpu.vector_load %arg9[%get3A_61, %get3A_62] {strides = array<i32>} : memref<128x16xf32, #tpu.memory_space<vmem>>, vector<16xf32>,
      %add3A_64 = arith.addf %add3A_54, %get3A_63 : vector<16xf32>
      %get3A_65 = arith.constant 48 : i32
      %get3A_66 = arith.index_cast %get3A_65 : i32 to index
      %get3A_67 = arith.constant 0 : index
      %get3A_68 = tpu.vector_load %arg9[%get3A_66, %get3A_67] {strides = array<i32>} : memref<128x16xf32, #tpu.memory_space<vmem>>, vector<16xf32>,
      %add3A_69 = arith.addf %add3A_59, %get3A_68 : vector<16xf32>
      %get3A_70 = arith.constant 49 : i32
      %get3A_71 = arith.index_cast %get3A_70 : i32 to index
      %get3A_72 = arith.constant 0 : index
      %get3A_73 = tpu.vector_load %arg9[%get3A_71, %get3A_72] {strides = array<i32>} : memref<128x16xf32, #tpu.memory_space<vmem>>, vector<16xf32>,
      %add3A_74 = arith.addf %add3A_64, %get3A_73 : vector<16xf32>
      %get3A_75 = arith.constant 56 : i32
      %get3A_76 = arith.index_cast %get3A_75 : i32 to index
      %get3A_77 = arith.constant 0 : index
      %get3A_78 = tpu.vector_load %arg9[%get3A_76, %get3A_77] {strides = array<i32>} : memref<128x16xf32, #tpu.memory_space<vmem>>, vector<16xf32>,
      %add3A_79 = arith.addf %add3A_69, %get3A_78 : vector<16xf32>
      %get3A_80 = arith.constant 57 : i32
      %get3A_81 = arith.index_cast %get3A_80 : i32 to index
      %get3A_82 = arith.constant 0 : index
      %get3A_83 = tpu.vector_load %arg9[%get3A_81, %get3A_82] {strides = array<i32>} : memref<128x16xf32, #tpu.memory_space<vmem>>, vector<16xf32>,
      %add3A_84 = arith.addf %add3A_74, %get3A_83 : vector<16xf32>
      %get3A_85 = arith.constant 64 : i32
      %get3A_86 = arith.index_cast %get3A_85 : i32 to index
      %get3A_87 = arith.constant 0 : index
      %get3A_88 = tpu.vector_load %arg9[%get3A_86, %get3A_87] {strides = array<i32>} : memref<128x16xf32, #tpu.memory_space<vmem>>, vector<16xf32>,
      %add3A_89 = arith.addf %add3A_79, %get3A_88 : vector<16xf32>
      %get3A_90 = arith.constant 65 : i32
      %get3A_91 = arith.index_cast %get3A_90 : i32 to index
      %get3A_92 = arith.constant 0 : index
      %get3A_93 = tpu.vector_load %arg9[%get3A_91, %get3A_92] {strides = array<i32>} : memref<128x16xf32, #tpu.memory_space<vmem>>, vector<16xf32>,
      %add3A_94 = arith.addf %add3A_84, %get3A_93 : vector<16xf32>
      %get3A_95 = arith.constant 72 : i32
      %get3A_96 = arith.index_cast %get3A_95 : i32 to index
      %get3A_97 = arith.constant 0 : index
      %get3A_98 = tpu.vector_load %arg9[%get3A_96, %get3A_97] {strides = array<i32>} : memref<128x16xf32, #tpu.memory_space<vmem>>, vector<16xf32>,
      %add3A_99 = arith.addf %add3A_89, %get3A_98 : vector<16xf32>
      %get3A_100 = arith.constant 73 : i32
      %get3A_101 = arith.index_cast %get3A_100 : i32 to index
      %get3A_102 = arith.constant 0 : index
      %get3A_103 = tpu.vector_load %arg9[%get3A_101, %get3A_102] {strides = array<i32>} : memref<128x16xf32, #tpu.memory_space<vmem>>, vector<16xf32>,
      %add3A_104 = arith.addf %add3A_94, %get3A_103 : vector<16xf32>
      %get3A_105 = arith.constant 80 : i32
      %get3A_106 = arith.index_cast %get3A_105 : i32 to index
      %get3A_107 = arith.constant 0 : index
      %get3A_108 = tpu.vector_load %arg9[%get3A_106, %get3A_107] {strides = array<i32>} : memref<128x16xf32, #tpu.memory_space<vmem>>, vector<16xf32>,
      %add3A_109 = arith.addf %add3A_99, %get3A_108 : vector<16xf32>
      %get3A_110 = arith.constant 81 : i32
      %get3A_111 = arith.index_cast %get3A_110 : i32 to index
      %get3A_112 = arith.constant 0 : index
      %get3A_113 = tpu.vector_load %arg9[%get3A_111, %get3A_112] {strides = array<i32>} : memref<128x16xf32, #tpu.memory_space<vmem>>, vector<16xf32>,
      %add3A_114 = arith.addf %add3A_104, %get3A_113 : vector<16xf32>
      %get3A_115 = arith.constant 88 : i32
      %get3A_116 = arith.index_cast %get3A_115 : i32 to index
      %get3A_117 = arith.constant 0 : index
      %get3A_118 = tpu.vector_load %arg9[%get3A_116, %get3A_117] {strides = array<i32>} : memref<128x16xf32, #tpu.memory_space<vmem>>, vector<16xf32>,
      %add3A_119 = arith.addf %add3A_109, %get3A_118 : vector<16xf32>
      %get3A_120 = arith.constant 89 : i32
      %get3A_121 = arith.index_cast %get3A_120 : i32 to index
      %get3A_122 = arith.constant 0 : index
      %get3A_123 = tpu.vector_load %arg9[%get3A_121, %get3A_122] {strides = array<i32>} : memref<128x16xf32, #tpu.memory_space<vmem>>, vector<16xf32>,
      %add3A_124 = arith.addf %add3A_114, %get3A_123 : vector<16xf32>
      %get3A_125 = arith.constant 96 : i32
      %get3A_126 = arith.index_cast %get3A_125 : i32 to index
      %get3A_127 = arith.constant 0 : index
      %get3A_128 = tpu.vector_load %arg9[%get3A_126, %get3A_127] {strides = array<i32>} : memref<128x16xf32, #tpu.memory_space<vmem>>, vector<16xf32>,
      %add3A_129 = arith.addf %add3A_119, %get3A_128 : vector<16xf32>
      %get3A_130 = arith.constant 97 : i32
      %get3A_131 = arith.index_cast %get3A_130 : i32 to index
      %get3A_132 = arith.constant 0 : index
      %get3A_133 = tpu.vector_load %arg9[%get3A_131, %get3A_132] {strides = array<i32>} : memref<128x16xf32, #tpu.memory_space<vmem>>, vector<16xf32>,
      %add3A_134 = arith.addf %add3A_124, %get3A_133 : vector<16xf32>
      %get3A_135 = arith.constant 104 : i32
      %get3A_136 = arith.index_cast %get3A_135 : i32 to index
      %get3A_137 = arith.constant 0 : index
      %get3A_138 = tpu.vector_load %arg9[%get3A_136, %get3A_137] {strides = array<i32>} : memref<128x16xf32, #tpu.memory_space<vmem>>, vector<16xf32>,
      %add3A_139 = arith.addf %add3A_129, %get3A_138 : vector<16xf32>
      %get3A_140 = arith.constant 105 : i32
      %get3A_141 = arith.index_cast %get3A_140 : i32 to index
      %get3A_142 = arith.constant 0 : index
      %get3A_143 = tpu.vector_load %arg9[%get3A_141, %get3A_142] {strides = array<i32>} : memref<128x16xf32, #tpu.memory_space<vmem>>, vector<16xf32>,
      %add3A_144 = arith.addf %add3A_134, %get3A_143 : vector<16xf32>
      %get3A_145 = arith.constant 112 : i32
      %get3A_146 = arith.index_cast %get3A_145 : i32 to index
      %get3A_147 = arith.constant 0 : index
      %get3A_148 = tpu.vector_load %arg9[%get3A_146, %get3A_147] {strides = array<i32>} : memref<128x16xf32, #tpu.memory_space<vmem>>, vector<16xf32>,
      %add3A_149 = arith.addf %add3A_139, %get3A_148 : vector<16xf32>
      %get3A_150 = arith.constant 113 : i32
      %get3A_151 = arith.index_cast %get3A_150 : i32 to index
      %get3A_152 = arith.constant 0 : index
      %get3A_153 = tpu.vector_load %arg9[%get3A_151, %get3A_152] {strides = array<i32>} : memref<128x16xf32, #tpu.memory_space<vmem>>, vector<16xf32>,
      %add3A_154 = arith.addf %add3A_144, %get3A_153 : vector<16xf32>
      %get3A_155 = arith.constant 120 : i32
      %get3A_156 = arith.index_cast %get3A_155 : i32 to index
      %get3A_157 = arith.constant 0 : index
      %get3A_158 = tpu.vector_load %arg9[%get3A_156, %get3A_157] {strides = array<i32>} : memref<128x16xf32, #tpu.memory_space<vmem>>, vector<16xf32>,
      %add3A_159 = arith.addf %add3A_149, %get3A_158 : vector<16xf32>
      %get3A_160 = arith.constant 121 : i32
      %get3A_161 = arith.index_cast %get3A_160 : i32 to index
      %get3A_162 = arith.constant 0 : index
      %get3A_163 = tpu.vector_load %arg9[%get3A_161, %get3A_162] {strides = array<i32>} : memref<128x16xf32, #tpu.memory_space<vmem>>, vector<16xf32>,
      %add3A_164 = arith.addf %add3A_154, %get3A_163 : vector<16xf32>
      %gt3A = arith.constant 0.000000e+00 : f32
      %gt3A_165 = vector.broadcast %gt3A : f32 to vector<16xf32>
      %gt3A_166 = arith.cmpf ogt, %add3A_159, %gt3A_165 : vector<16xf32>
      %jit3A = arith.constant 1.000000e+00 : f32
      %jit3A_167 = arith.constant 0.000000e+00 : f32
      %broadcast_in_dim3A = vector.broadcast %jit3A : f32 to vector<16xf32>
      %broadcast_in_dim3A_168 = vector.broadcast %jit3A_167 : f32 to vector<16xf32>
      %select_n3A = arith.select %gt3A_166, %broadcast_in_dim3A, %broadcast_in_dim3A_168 : vector<16xi1>, vector<16xf32>
      %reduce_sum3A = arith.constant true
      %reduce_sum3A_169 = vector.broadcast %reduce_sum3A : i1 to vector<16xi1>
      %reduce_sum3A_170 = tpu.scan <sum>, %select_n3A masked %reduce_sum3A_169 : vector<16xf32>, vector<16xi1> -> vector<16xf32>
      %reduce_sum3A_171 = vector.extract %reduce_sum3A_170[15] : f32 from vector<16xf32>
      %max3A = arith.constant 1.000000e+00 : f32
      %max3A_172 = vector.broadcast %max3A : f32 to vector<16xf32>
      %max3A_173 = arith.maximumf %add3A_159, %max3A_172 : vector<16xf32>
      %div3A = arith.divf %add3A_164, %max3A_173 : vector<16xf32>
      %jit3A_174 = arith.constant 0.000000e+00 : f32
      %broadcast_in_dim3A_175 = vector.broadcast %jit3A_174 : f32 to vector<16xf32>
      %select_n3A_176 = arith.select %gt3A_166, %div3A, %broadcast_in_dim3A_175 : vector<16xi1>, vector<16xf32>
      %reduce_sum3A_177 = arith.constant true
      %reduce_sum3A_178 = vector.broadcast %reduce_sum3A_177 : i1 to vector<16xi1>
      %reduce_sum3A_179 = tpu.scan <sum>, %select_n3A_176 masked %reduce_sum3A_178 : vector<16xf32>, vector<16xi1> -> vector<16xf32>
      %reduce_sum3A_180 = vector.extract %reduce_sum3A_179[15] : f32 from vector<16xf32>
      %broadcast_in_dim3A_181 = vector.broadcast %reduce_sum3A_180 : f32 to vector<16xf32>
      %broadcast_in_dim3A_182 = vector.broadcast %reduce_sum3A_171 : f32 to vector<16xf32>
      %max3A_183 = arith.constant 1.000000e+00 : f32
      %max3A_184 = vector.broadcast %max3A_183 : f32 to vector<16xf32>
      %max3A_185 = arith.maximumf %broadcast_in_dim3A_182, %max3A_184 : vector<16xf32>
      %div3A_186 = arith.divf %broadcast_in_dim3A_181, %max3A_185 : vector<16xf32>
      %swap3A = arith.constant 0 : index
      %swap3A_187 = tpu.vector_load %arg10[%swap3A] {strides = array<i32>} : memref<16xf32, #tpu.memory_space<vmem>>, vector<16xf32>,
      tpu.vector_store %arg10[%swap3A], %div3A_186 {strides = array<i32>} : memref<16xf32, #tpu.memory_space<vmem>>, vector<16xf32>,
      "tpu.region"() ({
        %run_scoped3A = tpu.sem_alloc : memref<!tpu.dma_semaphore, #tpu.memory_space<semaphore_mem>>
        tpu.enqueue_dma source(%arg10 : memref<16xf32, #tpu.memory_space<vmem>>) target(%arg4 : memref<16xf32, #tpu.memory_space<hbm>>) target_semaphore(%run_scoped3A : memref<!tpu.dma_semaphore, #tpu.memory_space<semaphore_mem>>)
        tpu.wait_dma2 semaphore(%run_scoped3A : memref<!tpu.dma_semaphore, #tpu.memory_space<semaphore_mem>>) src(%arg10 : memref<16xf32, #tpu.memory_space<vmem>>) dst(%arg4 : memref<16xf32, #tpu.memory_space<hbm>>)
        tpu.yield
      }) : () -> ()
    } else {
    }
    return
  }
}

module attributes {stable_mosaic.version = 14 : i64} {
  func.func @_tc_dense_body(%arg0: i32, %arg1: memref<1x1x2048xi32, #tpu.memory_space<vmem>>, %arg2: memref<2048x1000xf32, #tpu.memory_space<vmem>>, %arg3: memref<2048xf32, #tpu.memory_space<vmem>>, %arg4: memref<2048xf32, #tpu.memory_space<vmem>>) attributes {dimension_semantics = [#tpu.dimension_semantics<arbitrary>], iteration_bounds = array<i64: 8>, scalar_prefetch = 0 : i64, scratch_operands = 0 : i64, tpu.core_type = #tpu.core_type<tc>, window_params = [{transform_indices = @transform_0, window_bounds = array<i64: 1, 1, 2048>}, {transform_indices = @transform_1, window_bounds = array<i64: 2048, 1000>}, {transform_indices = @transform_2, window_bounds = array<i64: 2048>}, {transform_indices = @transform_3, window_bounds = array<i64: 2048>}]} {
    %get3A = arith.constant 0 : index
    %get3A_0 = arith.constant 0 : index
    %get3A_1 = vector.load %arg2[%get3A, %get3A_0] : memref<2048x1000xf32, #tpu.memory_space<vmem>>, vector<2048x1000xf32>
    %get3A_2 = arith.constant 0 : index
    %get3A_3 = arith.constant 0 : index
    %get3A_4 = arith.constant 0 : index
    %get3A_5 = vector.load %arg1[%get3A_2, %get3A_3, %get3A_4] : memref<1x1x2048xi32, #tpu.memory_space<vmem>>, vector<1x1x2048xi32>
    %get3A_6 = vector.shape_cast %get3A_5 : vector<1x1x2048xi32> to vector<2048xi32>
    %iota3A = tpu.iota {dimensions = array<i32: 1>} : vector<2048x1000xi32>
    %exp3A = math.exp %get3A_1 : vector<2048x1000xf32>
    %broadcast_in_dim3A = vector.shape_cast %get3A_6 : vector<2048xi32> to vector<2048x1xi32>
    %eq3A = vector.broadcast %broadcast_in_dim3A : vector<2048x1xi32> to vector<2048x1000xi32>
    %eq3A_7 = arith.cmpi eq, %iota3A, %eq3A : vector<2048x1000xi32>
    %jit3A = arith.constant 0.000000e+00 : f32
    %broadcast_in_dim3A_8 = vector.broadcast %jit3A : f32 to vector<2048x1000xf32>
    %select_n3A = arith.select %eq3A_7, %exp3A, %broadcast_in_dim3A_8 : vector<2048x1000xi1>, vector<2048x1000xf32>
    %slice3A = vector.extract_strided_slice %exp3A {offsets = [0, 0], sizes = [2048, 128], strides = [1, 1]} : vector<2048x1000xf32> to vector<2048x128xf32>
    %slice3A_9 = vector.extract_strided_slice %exp3A {offsets = [0, 128], sizes = [2048, 128], strides = [1, 1]} : vector<2048x1000xf32> to vector<2048x128xf32>
    %add3A = arith.addf %slice3A, %slice3A_9 : vector<2048x128xf32>
    %slice3A_10 = vector.extract_strided_slice %exp3A {offsets = [0, 256], sizes = [2048, 128], strides = [1, 1]} : vector<2048x1000xf32> to vector<2048x128xf32>
    %add3A_11 = arith.addf %add3A, %slice3A_10 : vector<2048x128xf32>
    %slice3A_12 = vector.extract_strided_slice %exp3A {offsets = [0, 384], sizes = [2048, 128], strides = [1, 1]} : vector<2048x1000xf32> to vector<2048x128xf32>
    %add3A_13 = arith.addf %add3A_11, %slice3A_12 : vector<2048x128xf32>
    %slice3A_14 = vector.extract_strided_slice %exp3A {offsets = [0, 512], sizes = [2048, 128], strides = [1, 1]} : vector<2048x1000xf32> to vector<2048x128xf32>
    %add3A_15 = arith.addf %add3A_13, %slice3A_14 : vector<2048x128xf32>
    %slice3A_16 = vector.extract_strided_slice %exp3A {offsets = [0, 640], sizes = [2048, 128], strides = [1, 1]} : vector<2048x1000xf32> to vector<2048x128xf32>
    %add3A_17 = arith.addf %add3A_15, %slice3A_16 : vector<2048x128xf32>
    %slice3A_18 = vector.extract_strided_slice %exp3A {offsets = [0, 768], sizes = [2048, 128], strides = [1, 1]} : vector<2048x1000xf32> to vector<2048x128xf32>
    %add3A_19 = arith.addf %add3A_17, %slice3A_18 : vector<2048x128xf32>
    %slice3A_20 = vector.extract_strided_slice %exp3A {offsets = [0, 896], sizes = [2048, 104], strides = [1, 1]} : vector<2048x1000xf32> to vector<2048x104xf32>
    %jit3A_21 = arith.constant 0 : i32
    %convert_element_type3A = arith.sitofp %jit3A_21 : i32 to f32
    %pad3A = vector.broadcast %convert_element_type3A : f32 to vector<2048x24xf32>
    %pad3A_22 = tpu.concatenate %slice3A_20, %pad3A in 1 : vector<2048x104xf32>, vector<2048x24xf32> -> vector<2048x128xf32>
    %add3A_23 = arith.addf %add3A_19, %pad3A_22 : vector<2048x128xf32>
    %transpose3A = tpu.transpose %add3A_23, [1, 0] : vector<2048x128xf32> -> vector<128x2048xf32>
    %reduce_sum3A = arith.constant dense<0.000000e+00> : vector<2048xf32>
    %reduce_sum3A_24 = vector.multi_reduction <add>, %transpose3A, %reduce_sum3A [0] : vector<128x2048xf32> to vector<2048xf32>
    %slice3A_25 = vector.extract_strided_slice %select_n3A {offsets = [0, 0], sizes = [2048, 128], strides = [1, 1]} : vector<2048x1000xf32> to vector<2048x128xf32>
    %slice3A_26 = vector.extract_strided_slice %select_n3A {offsets = [0, 128], sizes = [2048, 128], strides = [1, 1]} : vector<2048x1000xf32> to vector<2048x128xf32>
    %add3A_27 = arith.addf %slice3A_25, %slice3A_26 : vector<2048x128xf32>
    %slice3A_28 = vector.extract_strided_slice %select_n3A {offsets = [0, 256], sizes = [2048, 128], strides = [1, 1]} : vector<2048x1000xf32> to vector<2048x128xf32>
    %add3A_29 = arith.addf %add3A_27, %slice3A_28 : vector<2048x128xf32>
    %slice3A_30 = vector.extract_strided_slice %select_n3A {offsets = [0, 384], sizes = [2048, 128], strides = [1, 1]} : vector<2048x1000xf32> to vector<2048x128xf32>
    %add3A_31 = arith.addf %add3A_29, %slice3A_30 : vector<2048x128xf32>
    %slice3A_32 = vector.extract_strided_slice %select_n3A {offsets = [0, 512], sizes = [2048, 128], strides = [1, 1]} : vector<2048x1000xf32> to vector<2048x128xf32>
    %add3A_33 = arith.addf %add3A_31, %slice3A_32 : vector<2048x128xf32>
    %slice3A_34 = vector.extract_strided_slice %select_n3A {offsets = [0, 640], sizes = [2048, 128], strides = [1, 1]} : vector<2048x1000xf32> to vector<2048x128xf32>
    %add3A_35 = arith.addf %add3A_33, %slice3A_34 : vector<2048x128xf32>
    %slice3A_36 = vector.extract_strided_slice %select_n3A {offsets = [0, 768], sizes = [2048, 128], strides = [1, 1]} : vector<2048x1000xf32> to vector<2048x128xf32>
    %add3A_37 = arith.addf %add3A_35, %slice3A_36 : vector<2048x128xf32>
    %slice3A_38 = vector.extract_strided_slice %select_n3A {offsets = [0, 896], sizes = [2048, 104], strides = [1, 1]} : vector<2048x1000xf32> to vector<2048x104xf32>
    %jit3A_39 = arith.constant 0 : i32
    %convert_element_type3A_40 = arith.sitofp %jit3A_39 : i32 to f32
    %pad3A_41 = vector.broadcast %convert_element_type3A_40 : f32 to vector<2048x24xf32>
    %pad3A_42 = tpu.concatenate %slice3A_38, %pad3A_41 in 1 : vector<2048x104xf32>, vector<2048x24xf32> -> vector<2048x128xf32>
    %add3A_43 = arith.addf %add3A_37, %pad3A_42 : vector<2048x128xf32>
    %transpose3A_44 = tpu.transpose %add3A_43, [1, 0] : vector<2048x128xf32> -> vector<128x2048xf32>
    %reduce_sum3A_45 = arith.constant dense<0.000000e+00> : vector<2048xf32>
    %reduce_sum3A_46 = vector.multi_reduction <add>, %transpose3A_44, %reduce_sum3A_45 [0] : vector<128x2048xf32> to vector<2048xf32>
    %log3A = math.log %reduce_sum3A_46 : vector<2048xf32>
    %add3A_47 = arith.constant 9.99999993E-9 : f32
    %add3A_48 = vector.broadcast %add3A_47 : f32 to vector<2048xf32>
    %add3A_49 = arith.addf %reduce_sum3A_24, %add3A_48 : vector<2048xf32>
    %log3A_50 = math.log %add3A_49 : vector<2048xf32>
    %div3A = arith.divf %reduce_sum3A_46, %reduce_sum3A_24 : vector<2048xf32>
    %sub3A = arith.constant 1.000000e+00 : f32
    %sub3A_51 = vector.broadcast %sub3A : f32 to vector<2048xf32>
    %sub3A_52 = arith.subf %sub3A_51, %div3A : vector<2048xf32>
    %swap3A = arith.constant 0 : index
    %swap3A_53 = vector.load %arg3[%swap3A] : memref<2048xf32, #tpu.memory_space<vmem>>, vector<2048xf32>
    tpu.vector_store %arg3[%swap3A], %sub3A_52 {strides = array<i32>} : memref<2048xf32, #tpu.memory_space<vmem>>, vector<2048xf32>,
    %sub3A_54 = arith.subf %log3A_50, %log3A : vector<2048xf32>
    %swap3A_55 = arith.constant 0 : index
    %swap3A_56 = vector.load %arg4[%swap3A_55] : memref<2048xf32, #tpu.memory_space<vmem>>, vector<2048xf32>
    tpu.vector_store %arg4[%swap3A_55], %sub3A_54 {strides = array<i32>} : memref<2048xf32, #tpu.memory_space<vmem>>, vector<2048xf32>,
    return
  }
  func.func @transform_0(%arg0: i32) -> (i32, i32, i32) {
    %c0_i32 = arith.constant 0 : i32
    %c0_i32_0 = arith.constant 0 : i32
    %c0_i32_1 = arith.constant 0 : i32
    return %arg0, %c0_i32, %c0_i32_0 : i32, i32, i32
  }
  func.func @transform_1(%arg0: i32) -> (i32, i32) {
    %c0_i32 = arith.constant 0 : i32
    %c0_i32_0 = arith.constant 0 : i32
    return %arg0, %c0_i32 : i32, i32
  }
  func.func @transform_2(%arg0: i32) -> i32 {
    %c0_i32 = arith.constant 0 : i32
    return %arg0 : i32
  }
  func.func @transform_3(%arg0: i32) -> i32 {
    %c0_i32 = arith.constant 0 : i32
    return %arg0 : i32
  }
}

</mosaic_0001>

<sc_bundles>
// kernel: kernel.4.cloned.1.call-start
scs
__scs_entry_jumppad:
0x0: {  	(pc) =	sbr.rel $0x88, $3  }
0x1: {  	(tag) =	ssettag $0x0;
	lr =	simm.s32 $0x1  }
0x2: {  	[smem:$0x3F9F] =	sst lr;
	_ =	strace $0xD0000000  }
0x3: {  	_ = 	snop  }
0x4: {  	_ = 	snop  }
0x5: {  	_ = 	snop  }
0x6: {  	_ = 	snop  }
0x7: {  	_ = 	snop  }
__scs_overlays_trampoline_lowered:
0x8: {  	[smem:$0x3FAE] =	sst s0  }
0x9: {  	[smem:$0x3FAF] =	sst s1  }
0xa: {  	[smem:$0x3FB0] =	sst s2  }
0xb: {  	[smem:$0x3FB1] =	sst s3  }
0xc: {  	[smem:$0x3FB2] =	sst s4  }
0xd: {  	[smem:$0x3FB3] =	sst s5  }
0xe: {  	[smem:$0x3FB4] =	sst s6  }
0xf: {  	[smem:$0x3FB5] =	sst s7  }
0x10: {  	[smem:$0x3FB6] =	sst s8  }
0x11: {  	[smem:$0x3FB7] =	sst s9;
	s0 =	simm.s32 @!p0 $0x0  }
0x12: {  	s1 =	sld [smem:$0x3F9D];
	s0 =	simm.s32 @p0 $0x1  }
0x13: {  	[smem:$0x3FB8] =	sst s0;
	s0 =	simm.s32 @!p1 $0x0  }
0x14: {  	s2 =	sld [smem:$0x3F9C];
	s0 =	simm.s32 @p1 $0x1  }
0x15: {  	[smem:$0x3FB9] =	sst s0;
	s0 =	simm.s32 @!p2 $0x0  }
0x16: {  	s3 =	sld [smem:$0x3FDB];
	s0 =	simm.s32 @p2 $0x1  }
0x17: {  	s4 =	simm.s32 $0x1BF5;
	[smem:$0x3FBB] =	sst s0  }
0x18: {  	s0 =	sld [smem:$0x3F9E];
	_ =	swait.ge [sflag:s4], $0x0  }
0x19: {  	s7 =	sld [smem:$0x3F9F]  }
0x1a: {  	s8 =	sadd.s32 $0xFFFFE003, lr  }
0x1b: {  	s9 =	sadd.s32 $0xFFFFFEF7, lr;
	s5 =	simm.s32 $0xFFFFFFFF;
	p2 =	slt.u32 s8, $0xFFFFF086  }
0x1c: {  	p1 =	slt.u32 s9, $0xF7A;
	s5 =	simm.s32 @!p2 $0x0  }
0x1d: {  	s5 =	simm.s32 @p1 $0x1;
	p0 =	seq.s32 s7, s2  }
0x1e: {  	s7 =	smul.u32 @!p0 $0xF7A, s2;
	p2 =	seq.s32 @!p0 s5, $0x0  }
0x1f: {  	s9 =	smul.u32 $0xF7A, s1;
	s8 =	simm.s32 @!p0 $0x1BF5;
	p2 =	por !p2, p0  }
0x20: {  	[sflag:s8] =	ssyncset.s32 @!p0 $0xFFFFF086;
	s6 =	sadd.s32 @!p0 s3, s7;
	s7 =	simm.s32 @!p0 $0x108  }
0x21: {  	s3 =	sadd.s32 s3, s9;
	s6 =	sadd.s32 @!p0 $0x88, s6;
	s7 =	simm.s32 @p2 $0x1082  }
0x22: {  	[simem:s7], [sflag:s8] =	dma.local @!p0 [hbm:s6], $0xF7A  }
0x23: {  	s9 =	sor.u32 $0xD0000000, s2;
	s6 =	simm.s32 $0x108;
	_ =	swait.ge @!p0 [sflag:s8], $0x0  }
0x24: {  	s3 =	sadd.s32 $0x88, s3;
	s6 =	simm.s32 @!p1 $0x1082;
	[sflag:s4] =	ssyncset.s32 $0xFFFFF086  }
0x25: {  	[simem:s6], [sflag:s4] =	dma.local [hbm:s3], $0xF7A  }
0x26: {  	[smem:$0x3F9F] =	sst s1;
	(tag) =	ssettag s2;
	_ =	strace s9  }
0x27: {  	s1 =	sld [smem:$0x3FAF]  }
0x28: {  	s2 =	sld [smem:$0x3FB0]  }
0x29: {  	s4 =	sld [smem:$0x3FB2]  }
0x2a: {  	p0 =	seq.s32 s5, $0x0;
	s5 =	sld [smem:$0x3FB3]  }
0x2b: {  	s6 =	sld [smem:$0x3FB4]  }
0x2c: {  	s7 =	sld [smem:$0x3FB5]  }
0x2d: {  	s3 =	simm.s32 $0x108;
	s8 =	sld [smem:$0x3FB6]  }
0x2e: {  	s3 =	simm.s32 @!p0 $0x1082;
	s9 =	sld [smem:$0x3FB7]  }
0x2f: {  	lr =	sadd.s32 s0, s3;
	s0 =	sld [smem:$0x3FAE]  }
0x30: {  	s3 =	sld [smem:$0x3FB1]  }
0x31: {  	[smem:$0x3FBA] =	sst s10  }
0x32: {  	s10 =	sld [smem:$0x3FB8];
	_ =	sdelay $0x3  }
0x33: {  	p0 =	seq.s32 s10, $0x1;
	s10 =	sld [smem:$0x3FBA];
	_ =	sdelay $0x3  }
0x34: {  	[smem:$0x3FBA] =	sst s10  }
0x35: {  	s10 =	sld [smem:$0x3FB9];
	_ =	sdelay $0x3  }
0x36: {  	p1 =	seq.s32 s10, $0x1;
	s10 =	sld [smem:$0x3FBA];
	_ =	sdelay $0x3  }
0x37: {  	[smem:$0x3FBA] =	sst s10  }
0x38: {  	s10 =	sld [smem:$0x3FBB]  }
0x39: {  	_ = 	snop;
	(pc) =	sbr.ind lr, $3  }
0x3a: {  	_ = 	snop  }
0x3b: {  	_ = 	snop  }
0x3c: {  	p2 =	seq.s32 s10, $0x1;
	s10 =	sld [smem:$0x3FBA]  }
0x3d: {  	_ =	shalt  }
0x3e: {  	_ =	shalt  }
0x3f: {  	_ =	shalt  }
0x40: {  	_ =	shalt  }
0x41: {  	_ =	shalt  }
0x42: {  	_ =	shalt  }
0x43: {  	_ =	shalt  }
0x44: {  	_ =	shalt  }
0x45: {  	_ =	shalt  }
0x46: {  	_ =	shalt  }
0x47: {  	_ =	shalt  }
0x48: {  	_ =	shalt  }
0x49: {  	_ =	shalt  }
0x4a: {  	_ =	shalt  }
0x4b: {  	_ =	shalt  }
0x4c: {  	_ =	shalt  }
0x4d: {  	_ =	shalt  }
0x4e: {  	_ =	shalt  }
0x4f: {  	_ =	shalt  }
0x50: {  	_ =	shalt  }
0x51: {  	_ =	shalt  }
0x52: {  	_ =	shalt  }
0x53: {  	_ =	shalt  }
0x54: {  	_ =	shalt  }
0x55: {  	_ =	shalt  }
0x56: {  	_ =	shalt  }
0x57: {  	_ =	shalt  }
0x58: {  	_ =	shalt  }
0x59: {  	_ =	shalt  }
0x5a: {  	_ =	shalt  }
0x5b: {  	_ =	shalt  }
0x5c: {  	_ =	shalt  }
0x5d: {  	_ =	shalt  }
0x5e: {  	_ =	shalt  }
0x5f: {  	_ =	shalt  }
0x60: {  	_ =	shalt  }
0x61: {  	_ =	shalt  }
0x62: {  	_ =	shalt  }
0x63: {  	_ =	shalt  }
0x64: {  	_ =	shalt  }
0x65: {  	_ =	shalt  }
0x66: {  	_ =	shalt  }
0x67: {  	_ =	shalt  }
0x68: {  	_ =	shalt  }
0x69: {  	_ =	shalt  }
0x6a: {  	_ =	shalt  }
0x6b: {  	_ =	shalt  }
0x6c: {  	_ =	shalt  }
0x6d: {  	_ =	shalt  }
0x6e: {  	_ =	shalt  }
0x6f: {  	_ =	shalt  }
0x70: {  	_ =	shalt  }
0x71: {  	_ =	shalt  }
0x72: {  	_ =	shalt  }
0x73: {  	_ =	shalt  }
0x74: {  	_ =	shalt  }
0x75: {  	_ =	shalt  }
0x76: {  	_ =	shalt  }
0x77: {  	_ =	shalt  }
0x78: {  	_ =	shalt  }
0x79: {  	_ =	shalt  }
0x7a: {  	_ =	shalt  }
0x7b: {  	_ =	shalt  }
0x7c: {  	_ =	shalt  }
0x7d: {  	_ =	shalt  }
0x7e: {  	_ =	shalt  }
0x7f: {  	_ =	shalt  }
0x80: {  	_ =	shalt  }
0x81: {  	_ =	shalt  }
0x82: {  	_ =	shalt  }
0x83: {  	_ =	shalt  }
0x84: {  	_ =	shalt  }
0x85: {  	_ =	shalt  }
0x86: {  	_ =	shalt  }
0x87: {  	_ =	shalt  }
.Lfunc_end0:
.L_simem_size_0:
called_computation_lowered:
.L_overlay_start_0:
0x88: {  	s2 =	sld [smem:$0x3FD9]  }
0x89: {  	s3 =	sld [smem:$0x3FFE];
	_ =	sdelay $0x1  }
0x8a: {  	s1 =	srdreg.scid  }
0x8b: {  	s0 =	sand.u32 $0x1, s1  }
0x8c: {  	s17 =	sshll.u32 s0, $0xA;
	s2 =	sadd.s32 s3, s2  }
0x8d: {  	s2 =	sadd.s32 s2, s17  }
0x8e: {  	[smem:$0x3FC6] =	sst s2  }
0x8f: {  	_ = 	snop  }
0x90: {  	s2 =	sld [smem:$0x3FD0];
	(tm) =	ssettm $0x1  }
0x91: {  	s18 =	sld [smem:$0x3FFB];
	_ =	sdelay $0x3  }
0x92: {  	_ =	strace s18  }
0x93: {  	s3 =	sld [smem:$0x3FFC];
	_ =	sdelay $0x3  }
0x94: {  	_ =	strace s3  }
0x95: {  	s3 =	sld [smem:$0x3FFD];
	_ =	sdelay $0x3  }
0x96: {  	_ =	strace s3  }
0x97: {  	_ =	strace $0x8FFFFFFF  }
0x98: {  	s19 =	sld [smem:$0x3FDB];
	_ =	sdelay $0x1  }
0x99: {  	s4 =	simm.s32 $_scs_section_size  }
0x9a: {  	s5 =	simm.s32 $_size__tile_overlayer_lowered;
	s6 =	simm.s32 $_tile_overlayer_lowered  }
0x9b: {  	s22 =	simm.s32 $0x1BFF;
	s21 =	sshll.u32 s6, $0x1;
	s3 =	sadd.s32 s4, s19  }
0x9c: {  	s7 =	simm.s32 $0x0;
	s20 =	sshll.u32 s5, $0x1;
	s5 =	sadd.s32 s21, s3  }
0x9d: {  	[timem:s7], [sflag:s22] =	dma.local [hbm:s5], s20  }
0x9e: {  	_ =	swait.ge [sflag:s22], s20  }
0x9f: {  	s4 =	ssub.s32 $0x0, s20;
	[sflag:s22] =	ssyncset.done $0x0  }
0xa0: {  	[sflag:s22] =	ssyncadd.s32 s4;
	_ =	sdelay $0x1  }
0xa1: {  	s23 =	simm.s32 $0x1B8B  }
0xa2: {  	_ =	swait.ge [sflag:s23], $0x1  }
0xa3: {  	[sflag:s23] =	ssyncset.done $0x0  }
0xa4: {  	s25 =	simm.s32 $0x1B8E;
	s24 =	sld [smem:$0x3FFE];
	[sflag:s23] =	ssyncadd.s32 $0xFFFFFFFF  }
0xa5: {  	s26 =	simm.s32 $execute0_lowered;
	[smem:$0x3FD2] =	sst s25  }
0xa6: {  	s5 =	sshll.u32 s26, $0x1;
	_ =	strace $0x80000046;
	[dreg:$0x1] =	wrdreg $0xFFFFFFFF  }
0xa7: {  	s28 =	simm.s32 $_size_execute0_lowered;
	s3 =	sadd.s32 s3, s5;
	[dreg:$0x0] =	wrdreg $0x0  }
0xa8: {  	s5 =	sshll.u32 s28, $0x1;
	[dreg:$0x2] =	wrdreg s3  }
0xa9: {  	[dreg:$0x3] =	wrdreg s5  }
0xaa: {  	[dreg:$0x4] =	wrdreg $0xC0  }
0xab: {  	_ =	task [dreg:s7], $0x5FFFF  }
0xac: {  	[dreg:$0x1] =	wrdreg $0xFFFFFFFF  }
0xad: {  	[dreg:$0x0] =	wrdreg $0x60  }
0xae: {  	[dreg:$0x2] =	wrdreg s24  }
0xaf: {  	[dreg:$0x3] =	wrdreg s2  }
0xb0: {  	[dreg:$0x4] =	wrdreg $0x9  }
0xb1: {  	_ =	task.clear_ibuf [dreg:s7], $0x5FFFF;
	_ =	strace $0x90000046  }
0xb2: {  	s29 =	simm.s32 $0x9;
	_ =	strace $0x80000048  }
0xb3: {  	_ =	swait.ge [sflag:s29], $0x1  }
0xb4: {  	[sflag:s29] =	ssyncadd.s32 $0xFFFFFFFF  }
0xb5: {  	_ =	strace $0x90000048  }
0xb6: {  	_ =	sfence  }
0xb7: {  	s30 =	sld [smem:$0x0];
	_ =	sdelay $0x2  }
0xb8: {  	s31 =	sshll.u32 s1, $0xD;
	s1 =	sshrl.u32 s1, $0x2  }
0xb9: {  	s3 =	sand.u32 $0x4000, s31;
	s1 =	sadd.s32 s1, s30  }
0xba: {  	s0 =	sor.u32 s3, s0;
	s1 =	sshll.u32 s1, $0x11  }
0xbb: {  	s0 =	sor.u32 s1, s0  }
0xbc: {  	s0 =	sadd.s32 $0x8F2B, s0  }
0xbd: {  	[sflag:s0] =	ssyncadd.remote.s32 $0x1  }
0xbe: {  	_ =	sfence.sel $0xFFFF  }
0xbf: {  	[dreg:$0x0] =	wrdreg $0xFFFFFFFF;
	(pc) =	sbr.abs _section_cstart, $3  }
0xc0: {  	[dreg:$0x1] =	wrdreg $0xFFFFFFFF  }
0xc1: {  	_ =	task.clear_ibuf [dreg:s7], $0x2FFFF;
	_ =	strace $0x9FFFFFFF  }
0xc2: {  	(tm) =	ssettm $0x7FFFFFFF  }
0xc3: {  	_ =	shalt  }
tec
execute0_lowered:
.L_overlay_start_1:
0x0: {  	(tag) =	ssettag $0x1  }
0x1: {  	s4 =	rddreg [dreg:$0x0]  }
0x2: {  	s1 =	rddreg [dreg:$0x1]  }
0x3: {  	s2 =	srdreg.scid;
	s0 =	rddreg [dreg:$0x2]  }
0x4: {  	s3 =	simm.s32 $0x0;
	s11 =	simm.s32 $0x800;
	s12 =	simm.s32 $0x880  }
0x5: {  	s13 =	simm.s32 $0x2;
	s15 =	simm.s32 $0x4C00;
	s16 =	simm.s32 $0x0  }
0x6: {  	s9 =	sand.u32 $0x1, s2;
	[smem:$0x7FF] =	sst s3;
	s2 =	stileid.u32  }
0x7: {  	s5 =	ssub.s32 $0x2, s9;
	_ =	strace $0x80000047;
	s7 =	sshll.u32 s2, $0x7  }
.Ltmp0:
0x8: {  	s14 =	sor.u32 s2, s9;
	p0 =	sne.s32 s9, $0x0;
	(pc) =	sbr.rel .LBB2_1-.Ltmp0, $4  }
0x9: {  	s9 =	simm.s32 $0x400;
	s6 =	sshrl.u32 s5, $0x1;
	s8 =	sadd.s32 s7, s4  }
0xa: {  	s4 =	sadd.s32 $0x2000, s4;
	p1 =	sne.s32 s14, $0x0;
	s14 =	simm.s32 $0xC00  }
0xb: {  	s10 =	ssub.s32 s5, s6;
	s5 =	sadd.s32 $0x1000, s8;
	s6 =	sadd.s32 $0x1800, s8  }
0xc: {  	v0 =	vimm.f32 $0.0e+00;
	v1 =	vimm.s32 $0x0;
	v2 =	vimm.f32 $1.000000000e+00;
	s7 =	sadd.s32 s4, s7;
	s8 =	smax.u32 s10, $0x1;
	s10 =	simm.s32 $0x1  }
.LBB2_4:
0xd: {  	vm0 =	vge.f32 v3, $0.0e+00;
	vm1 =	vge.f32 v3, $1.000000010e-01  }
0xe: {  	vm7 =	vge.f32 v3, $2.000000030e-01;
	v4 =	vsel vm0, $0x1, v1;
	v5 =	vsel vm1, $0x1, v1  }
0xf: {  	vm8 =	vge.f32 v3, $3.000000120e-01;
	v54 =	vsel vm7, $0x1, v1;
	v4 =	vadd.s32 v5, v4  }
0x10: {  	vm9 =	vge.f32 v3, $4.000000060e-01;
	v55 =	vsel vm8, $0x1, v1;
	v4 =	vadd.s32 v54, v4  }
0x11: {  	vm10 =	vge.f32 v3, $5.000000000e-01;
	v56 =	vsel vm9, $0x1, v1;
	v4 =	vadd.s32 v55, v4  }
0x12: {  	vm11 =	vge.f32 v3, $6.000000240e-01;
	v57 =	vsel vm10, $0x1, v1;
	v4 =	vadd.s32 v56, v4  }
0x13: {  	vm12 =	vge.f32 v3, $6.999999880e-01;
	v58 =	vsel vm11, $0x1, v1;
	v4 =	vadd.s32 v57, v4  }
0x14: {  	vm13 =	vge.f32 v3, $8.000000110e-01;
	v59 =	vsel vm12, $0x1, v1;
	v4 =	vadd.s32 v58, v4  }
0x15: {  	vm14 =	vge.f32 v3, $8.999999760e-01;
	v60 =	vsel vm13, $0x1, v1;
	v4 =	vadd.s32 v59, v4  }
0x16: {  	vm15 =	vge.f32 v3, $1.000000950e+00;
	v61 =	vsel vm14, $0x1, v1;
	v4 =	vadd.s32 v60, v4  }
0x17: {  	v62 =	vsel vm15, $0x1, v1;
	v3 =	vadd.s32 v61, v4  }
0x18: {  	v3 =	vadd.s32 v62, v3  }
0x19: {  	v3 =	vmax.u32 v3, $0x1  }
0x1a: {  	v3 =	vmin.u32 v3, $0xA  }
0x1b: {  	v3 =	vadd.s32 $0xFFFFFFFF, v3  }
0x1c: {  	v63 =	vld [tilespmem:s17+$0x400];
	_ =	sdelay $0x3  }
0x1d: {  	[tilespmem:v3+s11+$0x0] =	vst.idx.add.f32.msk $0xffff, v2  }
0x1e: {  	[tilespmem:v3+s12+$0x0] =	vst.idx.add.f32.msk $0xffff, v63  }
0x1f: {  	[hbm4b:s7+s3] =	stream.linear.scatter [tilespmem:s11], [sflag:$0x2], $0x400, $0x38;
	[tilespmem:$0x4C80] =	vst v63  }
0x20: {  	_ =	swait.ge [sflag:s13], $0x400  }
0x21: {  	[sflag:s13] =	ssyncset.done $0x0  }
0x22: {  	[sflag:s13] =	ssyncadd.s32 $0xFFFFFC00  }
.LBB2_5:
.Ltmp1:
0x23: {  	(pc) =	sbr.rel @!p1 .LBB2_6-.Ltmp1, $2  }
0x24: {  	_ =	sdelay $0x1  }
0x25: {  	[bflag:$0x0] =	sbarrier.arrive $0xFFFF;
	_ =	sdelay $0x1  }
.LBB2_7:
0x26: {  	s16 =	sadd.s32 $0x1, s16  }
0x27: {  	p2 =	sne.s32 s16, s8  }
.Ltmp2:
0x28: {  	_ = 	snop;
	(pc) =	sbr.rel @!p2 .LBB2_8-.Ltmp2, $1  }
0x29: {  	_ =	sdelay $0x3  }
.LBB2_1:
.Ltmp3:
0x2a: {  	(pc) =	sbr.rel @p0 .LBB2_5-.Ltmp3, $1  }
0x2b: {  	_ =	sdelay $0x3  }
0x2c: {  	s17 =	simm.s32 $0x0  }
0x2d: {  	[tilespmem:s17], [sflag:$0x1] =	stream.linear.gather [hbm4b:s5+s17], $0x400, $0x38;
	[tilespmem:$0x4C80] =	vst v63  }
0x2e: {  	_ = 	snop  }
0x2f: {  	[tilespmem:s9], [sflag:$0x1] =	stream.linear.gather [hbm4b:s6+s17], $0x400, $0x38;
	[tilespmem:$0x4C80] =	vst v63  }
0x30: {  	_ =	swait.ge [sflag:s10], $0x400  }
0x31: {  	[sflag:s10] =	ssyncset.done $0x0  }
0x32: {  	[sflag:s10] =	ssyncadd.s32 $0xFFFFFC00  }
0x33: {  	_ =	swait.ge [sflag:s10], $0x400  }
0x34: {  	[sflag:s10] =	ssyncset.done $0x0  }
0x35: {  	[sflag:s10] =	ssyncadd.s32 $0xFFFFFC00  }
0x36: {  	[tilespmem:$0x800] =	vst v0  }
0x37: {  	[tilespmem:$0x880] =	vst v0  }
0x38: {  	[tilespmem:$0x900] =	vst v0  }
0x39: {  	[tilespmem:$0x980] =	vst v0  }
0x3a: {  	[tilespmem:$0xA00] =	vst v0  }
0x3b: {  	[tilespmem:$0xA80] =	vst v0  }
0x3c: {  	[tilespmem:$0xB00] =	vst v0  }
0x3d: {  	s17 =	simm.s32 $0x0;
	[tilespmem:$0xB80] =	vst v0  }
0x3e: {  	s18 =	simm.s32 $0x40;
	v3 =	vld [tilespmem:s17+$0x0]  }
.LBB2_3:
0x3f: {  	p2 =	sne.s32 s18, $0xFC0;
	_ =	sdelay $0x3  }
0x40: {  	vm0 =	vge.f32 v3, $0.0e+00;
	vm1 =	vge.f32 v3, $1.000000010e-01  }
0x41: {  	v4 =	vsel vm0, $0x1, v1;
	v5 =	vsel vm1, $0x1, v1;
	vm0 =	vge.f32 v3, $2.000000030e-01  }
0x42: {  	v4 =	vadd.s32 v5, v4;
	v5 =	vsel vm0, $0x1, v1;
	vm0 =	vge.f32 v3, $3.000000120e-01  }
0x43: {  	v4 =	vadd.s32 v5, v4;
	v5 =	vsel vm0, $0x1, v1;
	vm0 =	vge.f32 v3, $4.000000060e-01  }
0x44: {  	v4 =	vadd.s32 v5, v4;
	v5 =	vsel vm0, $0x1, v1;
	vm0 =	vge.f32 v3, $5.000000000e-01  }
0x45: {  	v4 =	vadd.s32 v5, v4;
	v5 =	vsel vm0, $0x1, v1;
	vm0 =	vge.f32 v3, $6.000000240e-01  }
0x46: {  	v4 =	vadd.s32 v5, v4;
	v5 =	vsel vm0, $0x1, v1;
	vm0 =	vge.f32 v3, $6.999999880e-01  }
0x47: {  	v4 =	vadd.s32 v5, v4;
	v5 =	vsel vm0, $0x1, v1;
	vm0 =	vge.f32 v3, $8.000000110e-01  }
0x48: {  	v4 =	vadd.s32 v5, v4;
	v5 =	vsel vm0, $0x1, v1;
	vm0 =	vge.f32 v3, $8.999999760e-01  }
0x49: {  	v4 =	vadd.s32 v5, v4;
	v5 =	vsel vm0, $0x1, v1;
	vm0 =	vge.f32 v3, $1.000000950e+00  }
0x4a: {  	v3 =	vadd.s32 v5, v4;
	v4 =	vsel vm0, $0x1, v1  }
0x4b: {  	v3 =	vadd.s32 v4, v3  }
0x4c: {  	v3 =	vmax.u32 v3, $0x1  }
0x4d: {  	v3 =	vmin.u32 v3, $0xA  }
0x4e: {  	v3 =	vadd.s32 $0xFFFFFFFF, v3  }
0x4f: {  	v4 =	vld [tilespmem:s17+$0x400];
	_ =	sdelay $0x1  }
.Ltmp4:
0x50: {  	(pc) =	sbr.rel @p2 .LBB2_3-.Ltmp4, $4  }
0x51: {  	_ = 	snop  }
0x52: {  	[tilespmem:v3+s11+$0x0] =	vst.idx.add.f32.msk $0xffff, v2  }
0x53: {  	s17 =	sshra.s32 s18, $0x2;
	[tilespmem:v3+s12+$0x0] =	vst.idx.add.f32.msk $0xffff, v4  }
0x54: {  	s18 =	sadd.s32 $0x40, s18;
	v3 =	vld [tilespmem:s17+$0x0]  }
.Ltmp5:
0x55: {  	_ = 	snop;
	(pc) =	sbr.rel .LBB2_4-.Ltmp5, $1  }
0x56: {  	_ =	sdelay $0x3  }
.LBB2_6:
0x57: {  	[tilespmem:s14], [sflag:$0x2] =	stream.linear.gather [hbm4b:s4+s3], $0x4000, $0x38;
	[tilespmem:$0x4C80] =	vst v63  }
0x58: {  	_ =	swait.ge [sflag:s13], $0x4000  }
0x59: {  	[sflag:s13] =	ssyncset.done $0x0  }
0x5a: {  	[sflag:s13] =	ssyncadd.s32 $0xFFFFC000  }
0x5b: {  	v3 =	vld [tilespmem:$0xC00]  }
0x5c: {  	v4 =	vld [tilespmem:$0x1000];
	_ =	sdelay $0x1  }
0x5d: {  	v5 =	vld [tilespmem:$0x1400];
	_ =	sdelay $0x1  }
0x5e: {  	v6 =	vld [tilespmem:$0x1800]  }
0x5f: {  	v3 =	vadd.f32 v4, v3  }
0x60: {  	v35 =	vld [tilespmem:$0x1C00]  }
0x61: {  	v3 =	vadd.f32 v5, v3  }
0x62: {  	v36 =	vld [tilespmem:$0x2000]  }
0x63: {  	v7 =	vld [tilespmem:$0xC80];
	v3 =	vadd.f32 v6, v3  }
0x64: {  	v37 =	vld [tilespmem:$0x2400]  }
0x65: {  	v8 =	vld [tilespmem:$0x1080];
	v3 =	vadd.f32 v35, v3  }
0x66: {  	v38 =	vld [tilespmem:$0x2800]  }
0x67: {  	v9 =	vld [tilespmem:$0x1480];
	v3 =	vadd.f32 v36, v3  }
0x68: {  	v39 =	vld [tilespmem:$0x2C00]  }
0x69: {  	v40 =	vld [tilespmem:$0x1880];
	v3 =	vadd.f32 v37, v3  }
0x6a: {  	v41 =	vld [tilespmem:$0x3000];
	v7 =	vadd.f32 v8, v7  }
0x6b: {  	v42 =	vld [tilespmem:$0x1C80];
	v3 =	vadd.f32 v38, v3  }
0x6c: {  	v43 =	vld [tilespmem:$0x3400];
	v7 =	vadd.f32 v9, v7  }
0x6d: {  	v44 =	vld [tilespmem:$0x2080];
	v3 =	vadd.f32 v39, v3  }
0x6e: {  	v45 =	vld [tilespmem:$0x3800];
	v6 =	vadd.f32 v40, v7  }
0x6f: {  	v46 =	vld [tilespmem:$0x2480];
	v3 =	vadd.f32 v41, v3  }
0x70: {  	v47 =	vld [tilespmem:$0x3C00];
	v4 =	vadd.f32 v42, v6  }
0x71: {  	v48 =	vld [tilespmem:$0x2880];
	v3 =	vadd.f32 v43, v3  }
0x72: {  	v49 =	vld [tilespmem:$0x4000];
	v4 =	vadd.f32 v44, v4  }
0x73: {  	v50 =	vld [tilespmem:$0x2C80];
	v3 =	vadd.f32 v45, v3  }
0x74: {  	v51 =	vld [tilespmem:$0x4400];
	v4 =	vadd.f32 v46, v4  }
0x75: {  	v52 =	vld [tilespmem:$0x3080];
	v3 =	vadd.f32 v47, v3  }
0x76: {  	v53 =	vld [tilespmem:$0x4800];
	v4 =	vadd.f32 v48, v4  }
0x77: {  	v54 =	vld [tilespmem:$0x3480];
	v3 =	vadd.f32 v49, v3  }
0x78: {  	v4 =	vadd.f32 v50, v4  }
0x79: {  	v55 =	vld [tilespmem:$0x3880];
	v3 =	vadd.f32 v51, v3  }
0x7a: {  	v4 =	vadd.f32 v52, v4  }
0x7b: {  	v56 =	vld [tilespmem:$0x3C80];
	v3 =	vadd.f32 v53, v3  }
0x7c: {  	v4 =	vadd.f32 v54, v4  }
0x7d: {  	v57 =	vld [tilespmem:$0x4080];
	v58 =	vmax.f32 v3, $1.000000000e+00  }
0x7e: {  	v4 =	vadd.f32 v55, v4;
	vm0 =	vgt.f32 v3, $0.0e+00;
	(erf) = vrcp.f32 v58  }
0x7f: {  	v3 =	vld [tilespmem:$0x4480];
	v59 =	vsel vm0, $0x3F800000, v0  }
0x80: {  	v4 =	vadd.f32 v56, v4;
	(xrf2) =	vadd.scan.msk.f32 $0xffff, v59  }
0x81: {  	v60 =	vld [tilespmem:$0x4880]  }
0x82: {  	v4 =	vadd.f32 v57, v4;
	_ =	sdelay $0x1  }
0x83: {  	v3 =	vadd.f32 v3, v4;
	_ =	sdelay $0x1  }
0x84: {  	v3 =	vadd.f32 v60, v3  }
0x85: {  	v61 =	vpop (erf)  }
0x86: {  	v3 =	vmul.f32 v61, v3;
	_ =	sdelay $0x1  }
0x87: {  	v62, _, _ =	vpop (xrf2);
	v3 =	vnsel vm0, $0x0, v3  }
0x88: {  	(xrf2) =	vadd.scan.msk.f32 $0xffff, v3;
	v3 =	vmax.f32 v62, $1.000000000e+00  }
0x89: {  	v3 =	vbroadcast v3, $0xF;
	_ =	sdelay $0x1  }
0x8a: {  	(erf) = vrcp.f32 v3;
	_ =	sdelay $0x6  }
0x8b: {  	v3, _, _ =	vpop (xrf2)  }
0x8c: {  	v3 =	vbroadcast v3, $0xF  }
0x8d: {  	v63 =	vpop (erf)  }
0x8e: {  	v3 =	vmul.f32 v63, v3;
	_ =	sdelay $0x1  }
.Ltmp6:
0x8f: {  	[tilespmem:$0x4C00] =	vst v3;
	(pc) =	sbr.rel .LBB2_7-.Ltmp6, $4  }
0x90: {  	[hbm4b:s1+s3] =	stream.linear.scatter [tilespmem:s15], [sflag:$0x2], $0x80, $0x38;
	[tilespmem:$0x4C80] =	vst v63  }
0x91: {  	_ =	swait.ge [sflag:s13], $0x80  }
0x92: {  	[sflag:s13] =	ssyncset.done $0x0  }
0x93: {  	[sflag:s13] =	ssyncadd.s32 $0xFFFFFF80  }
.LBB2_8:
0x94: {  	_ =	sfence.sel $0x180000  }
0x95: {  	[bflag:$0x0] =	sbarrier.arrive $0xFFFF  }
0x96: {  	p0 =	sne.s32 s2, $0x0;
	_ =	strace $0x90000047  }
0x97: {  	s0 =	sadd.s32 @!p0 $0x100000, s0;
	[bflag:$0x2] =	sbarrier.arrive $0xFFFF  }
0x98: {  	[sflag:s0] =	ssyncadd.tile.s32 @!p0 $0x1;
	_ =	shalt  }
.Lfunc_end2:
_tile_overlayer_lowered:
.L_overlay_start_2:
0x99: {  	(tag) =	ssettag $0x2  }
0x9a: {  	s0 =	rddreg [dreg:$0x0];
	s2 =	stileid.u32  }
0x9b: {  	s1 =	rddreg [dreg:$0x1];
	p0 =	sne.s32 s2, $0x0  }
0x9c: {  	s3 =	rddreg [dreg:$0x2];
	[bflag:$0x3] =	sbarrier.arrive $0xFFFF;
	s2 =	simm.s32 @!p0 $0x1C02  }
0x9d: {  	[timem:s3], [sflag:s2] =	dma.local @!p0 [hbm:s0], s1  }
0x9e: {  	s0 =	simm.s32 @!p0 $0x2  }
0x9f: {  	_ =	swait.ge @!p0 [sflag:s0], s1  }
0xa0: {  	s1 =	ssub.s32 @!p0 $0x0, s1;
	[sflag:s0] =	ssyncset.done @!p0 $0x0  }
0xa1: {  	[sflag:s0] =	ssyncadd.s32 @!p0 s1  }
0xa2: {  	[bflag:$0x3] =	sbarrier.arrive $0xFFFF  }
0xa3: {  	_ =	shalt  }

</sc_bundles>
